<compile_context>
chip_gen: v7x
topology: tpu7x:2x2x1
jax: 0.10.2.dev20260603
libtpu: 0.0.44.dev20260713+nightly
codegen_flags: <defaults>
</compile_context>

<pallas_src>
import functools

import jax
import jax.numpy as jnp
from jax import lax
from jax.experimental import pallas as pl
from jax.experimental.pallas import tpu as pltpu
from jax.experimental.pallas import tpu_sc as plsc

BATCH = 4096
HIST = 50
EMBED = 128
NUM_CORES = 2
NUM_SUBCORES = 16
NUM_WORKERS = NUM_CORES * NUM_SUBCORES
COLS_PER_W = BATCH // NUM_WORKERS
NBUF = 4


def _make_emb_kernel():
  mesh = plsc.VectorSubcoreMesh(core_axis_name="c", subcore_axis_name="s")

  @functools.partial(
      pl.kernel,
      mesh=mesh,
      out_type=jax.ShapeDtypeStruct((HIST, BATCH, EMBED), jnp.float32),
      scratch_types=[
          pltpu.VMEM((HIST, COLS_PER_W), jnp.int32),
          pltpu.VMEM((NBUF, COLS_PER_W, EMBED), jnp.float32),
          pltpu.SemaphoreType.DMA,
          pltpu.SemaphoreType.DMA,
          pltpu.SemaphoreType.DMA,
      ],
  )
  def emb(idx_hbm, table_hbm, out_hbm, idx_v, rows_v, gsem, osem, isem):
    wid = lax.axis_index("s") * NUM_CORES + lax.axis_index("c")
    col0 = wid * COLS_PER_W
    head = pltpu.async_copy(
        idx_hbm.at[pl.ds(0, 8), pl.ds(col0, COLS_PER_W)],
        idx_v.at[pl.ds(0, 8)], isem)
    tail = pltpu.async_copy(
        idx_hbm.at[pl.ds(8, HIST - 8), pl.ds(col0, COLS_PER_W)],
        idx_v.at[pl.ds(8, HIST - 8)], isem)
    head.wait()

    for p in range(NBUF - 1):
      pltpu.async_copy(table_hbm.at[idx_v.at[p]], rows_v.at[p], gsem)
    tail.wait()

    def body(g, carry):
      cur = lax.rem(g, NBUF)

      @pl.when(g > 0)
      def _wait_prev_store():
        pltpu.make_async_copy(
            rows_v.at[lax.rem(g + NBUF - 1, NBUF)],
            out_hbm.at[g - 1].at[pl.ds(col0, COLS_PER_W)],
            osem,
        ).wait()

      @pl.when(g + NBUF - 1 < HIST)
      def _fire_next_gather():
        pltpu.async_copy(
            table_hbm.at[idx_v.at[g + NBUF - 1]],
            rows_v.at[lax.rem(g + NBUF - 1, NBUF)], gsem)

      pltpu.make_async_copy(
          table_hbm.at[idx_v.at[g]], rows_v.at[cur], gsem).wait()
      pltpu.async_copy(
          rows_v.at[cur], out_hbm.at[g].at[pl.ds(col0, COLS_PER_W)], osem)
      return carry

    lax.fori_loop(0, HIST, body, 0)
    pltpu.make_async_copy(
        rows_v.at[(HIST - 1) % NBUF],
        out_hbm.at[HIST - 1].at[pl.ds(col0, COLS_PER_W)],
        osem,
    ).wait()

  return emb


_EMB = _make_emb_kernel()


@jax.jit
def kernel(input, table):
  out_t = _EMB(input.T, table)
  return out_t.transpose(1, 0, 2)

# --- scband reference (transcript-rebuilt; emitter-appended) ---
"""Pipeline reference for scband-embedding-79903571575302 (READ-ONLY COPY).

The authoritative reference and input builder live on the scoring server;
editing this copy changes nothing except your own understanding.
"""

import jax, jax.numpy as jnp
import numpy as np

TOTAL_WORDS = 100000
EMBED_DIM = 128
BATCH = 4096
HIST_LEN = 50


def setup_inputs(seed: int = 0) -> dict:
    key = jax.random.key(seed)
    k_idx, k_tab = jax.random.split(key)
    # indices into the embedding table; padding_idx = TOTAL_WORDS, so valid
    # word ids are in [0, TOTAL_WORDS). randint upper bound is exclusive.
    indices = jax.random.randint(k_idx, (BATCH, HIST_LEN), 0, TOTAL_WORDS, dtype=jnp.int32)
    # embedding table of shape [total_words + 1, word_embedding_size];
    # row TOTAL_WORDS is the padding row and is zeroed (padding_idx semantics).
    table = jax.random.normal(k_tab, (TOTAL_WORDS + 1, EMBED_DIM), dtype=jnp.float32)
    table = table.at[TOTAL_WORDS].set(0.0)
    return {"input": indices, "table": table}


def reference(input, table):
    # nn.Embedding lookup -> gather rows of the table.
    # Dropout is identity in eval mode (inference reference).
    out = jnp.take(table, input, axis=0)
    return out

if __name__ == "__main__":
    import jax
    _d = setup_inputs()
    print(jax.jit(kernel)(*tuple(_d.values())))

</pallas_src>

<mosaic_0001>
#map = affine_map<(d0, d1) -> (0, 0)>
#map1 = affine_map<(d0, d1) -> (0, 0, 0)>
module attributes {stable_mosaic.version = 14 : i64} {
  func.func @emb(%arg0: i32, %arg1: i32, %arg2: memref<50x4096xi32, #tpu.memory_space<hbm>>, %arg3: memref<100001x128xf32, #tpu.memory_space<hbm>>, %arg4: memref<50x4096x128xf32, #tpu.memory_space<hbm>>, %arg5: memref<50x128xi32, #tpu.memory_space<vmem>>, %arg6: memref<4x128x128xf32, #tpu.memory_space<vmem>>, %arg7: memref<!tpu.dma_semaphore, #tpu.memory_space<semaphore_mem>>, %arg8: memref<!tpu.dma_semaphore, #tpu.memory_space<semaphore_mem>>, %arg9: memref<!tpu.dma_semaphore, #tpu.memory_space<semaphore_mem>>) attributes {dimension_semantics = [#tpu.dimension_semantics<core_parallel>, #tpu.dimension_semantics<subcore_parallel>], iteration_bounds = array<i64: 2, 16>, scalar_prefetch = 0 : i64, scratch_operands = 5 : i64, tpu.core_type = #tpu.core_type<sc_vector_subcore>, window_params = [{transform_indices = #map}, {transform_indices = #map}, {transform_indices = #map1}]} {
    %mul3A = arith.constant 2 : i32
    %mul3A_0 = arith.muli %arg1, %mul3A : i32
    %add3A = arith.addi %mul3A_0, %arg0 : i32
    %mul3A_1 = arith.constant 128 : i32
    %mul3A_2 = arith.muli %add3A, %mul3A_1 : i32
    %dma_start3A = arith.constant 0 : i32
    %dma_start3A_3 = arith.constant 0 : i32
    %dma_start3A_4 = tpu.memref_slice %arg5[%dma_start3A, %dma_start3A_3] : memref<50x128xi32, #tpu.memory_space<vmem>> -> memref<8x128xi32, #tpu.memory_space<vmem>>
    %dma_start3A_5 = arith.constant 0 : i32
    %dma_start3A_6 = tpu.memref_slice %arg2[%dma_start3A_5, %mul3A_2] : memref<50x4096xi32, #tpu.memory_space<hbm>> -> memref<8x128xi32, #tpu.memory_space<hbm>>
    %dma_start3A_7 = arith.constant 0 : i32
    %dma_start3A_8 = arith.constant 0 : i32
    %dma_start3A_9 = tpu.memref_slice %arg5[%dma_start3A_7, %dma_start3A_8] : memref<50x128xi32, #tpu.memory_space<vmem>> -> memref<8x128xi32, #tpu.memory_space<vmem>>
    %dma_start3A_10 = arith.constant 0 : i32
    %dma_start3A_11 = tpu.memref_slice %arg2[%dma_start3A_10, %mul3A_2] : memref<50x4096xi32, #tpu.memory_space<hbm>> -> memref<8x128xi32, #tpu.memory_space<hbm>>
    tpu.enqueue_dma source(%dma_start3A_11 : memref<8x128xi32, #tpu.memory_space<hbm>>) target(%dma_start3A_9 : memref<8x128xi32, #tpu.memory_space<vmem>>) target_semaphore(%arg9 : memref<!tpu.dma_semaphore, #tpu.memory_space<semaphore_mem>>)
    %dma_start3A_12 = arith.constant 8 : i32
    %dma_start3A_13 = arith.constant 0 : i32
    %dma_start3A_14 = tpu.memref_slice %arg5[%dma_start3A_12, %dma_start3A_13] : memref<50x128xi32, #tpu.memory_space<vmem>> -> memref<42x128xi32, #tpu.memory_space<vmem>>
    %dma_start3A_15 = arith.constant 8 : i32
    %dma_start3A_16 = tpu.memref_slice %arg2[%dma_start3A_15, %mul3A_2] : memref<50x4096xi32, #tpu.memory_space<hbm>> -> memref<42x128xi32, #tpu.memory_space<hbm>>
    %dma_start3A_17 = arith.constant 8 : i32
    %dma_start3A_18 = arith.constant 0 : i32
    %dma_start3A_19 = tpu.memref_slice %arg5[%dma_start3A_17, %dma_start3A_18] : memref<50x128xi32, #tpu.memory_space<vmem>> -> memref<42x128xi32, #tpu.memory_space<vmem>>
    %dma_start3A_20 = arith.constant 8 : i32
    %dma_start3A_21 = tpu.memref_slice %arg2[%dma_start3A_20, %mul3A_2] : memref<50x4096xi32, #tpu.memory_space<hbm>> -> memref<42x128xi32, #tpu.memory_space<hbm>>
    tpu.enqueue_dma source(%dma_start3A_21 : memref<42x128xi32, #tpu.memory_space<hbm>>) target(%dma_start3A_19 : memref<42x128xi32, #tpu.memory_space<vmem>>) target_semaphore(%arg9 : memref<!tpu.dma_semaphore, #tpu.memory_space<semaphore_mem>>)
    %dma_wait3A = arith.constant 0 : i32
    %dma_wait3A_22 = arith.constant 0 : i32
    %dma_wait3A_23 = tpu.memref_slice %arg5[%dma_wait3A, %dma_wait3A_22] : memref<50x128xi32, #tpu.memory_space<vmem>> -> memref<8x128xi32, #tpu.memory_space<vmem>>
    %dma_wait3A_24 = arith.constant 0 : i32
    %dma_wait3A_25 = tpu.memref_slice %arg2[%dma_wait3A_24, %mul3A_2] : memref<50x4096xi32, #tpu.memory_space<hbm>> -> memref<8x128xi32, #tpu.memory_space<hbm>>
    %dma_wait3A_26 = arith.constant 0 : i32
    %dma_wait3A_27 = arith.constant 0 : i32
    %dma_wait3A_28 = tpu.memref_slice %arg5[%dma_wait3A_26, %dma_wait3A_27] : memref<50x128xi32, #tpu.memory_space<vmem>> -> memref<8x128xi32, #tpu.memory_space<vmem>>
    %dma_wait3A_29 = arith.constant 0 : i32
    %dma_wait3A_30 = tpu.memref_slice %arg2[%dma_wait3A_29, %mul3A_2] : memref<50x4096xi32, #tpu.memory_space<hbm>> -> memref<8x128xi32, #tpu.memory_space<hbm>>
    tpu.wait_dma2 semaphore(%arg9 : memref<!tpu.dma_semaphore, #tpu.memory_space<semaphore_mem>>) src(%dma_wait3A_30 : memref<8x128xi32, #tpu.memory_space<hbm>>) dst(%dma_wait3A_28 : memref<8x128xi32, #tpu.memory_space<vmem>>)
    %dma_start3A_31 = arith.constant 0 : i32
    %dma_start3A_32 = arith.constant 0 : i32
    %dma_start3A_33 = arith.constant 0 : i32
    %dma_start3A_34 = arith.constant 0 : i32
    %dma_start3A_35 = tpu.memref_slice %arg6[%dma_start3A_32, %dma_start3A_33, %dma_start3A_34] : memref<4x128x128xf32, #tpu.memory_space<vmem>> -> memref<1x128x128xf32, #tpu.memory_space<vmem>>
    %dma_start3A_36 = tpu.memref_squeeze %dma_start3A_35 : memref<1x128x128xf32, #tpu.memory_space<vmem>> -> memref<128x128xf32, #tpu.memory_space<vmem>>
    %dma_start3A_37 = arith.constant 0 : i32
    %dma_start3A_38 = tpu.memref_slice %arg5[%dma_start3A_31, %dma_start3A_37] : memref<50x128xi32, #tpu.memory_space<vmem>> -> memref<1x128xi32, #tpu.memory_space<vmem>>
    %dma_start3A_39 = tpu.memref_squeeze %dma_start3A_38 : memref<1x128xi32, #tpu.memory_space<vmem>> -> memref<128xi32, #tpu.memory_space<vmem>>
    %dma_start3A_40 = arith.constant 0 : i32
    %dma_start3A_41 = arith.constant 0 : i32
    %dma_start3A_42 = tpu.memref_slice %arg3[%dma_start3A_40, %dma_start3A_41] : memref<100001x128xf32, #tpu.memory_space<hbm>> -> memref<100001x128xf32, #tpu.memory_space<hbm>>
    tpu.enqueue_indirect_dma source(%dma_start3A_42 : memref<100001x128xf32, #tpu.memory_space<hbm>>) target(%dma_start3A_36 : memref<128x128xf32, #tpu.memory_space<vmem>>) offsets(%dma_start3A_39 : memref<128xi32, #tpu.memory_space<vmem>>) semaphore(%arg7 : memref<!tpu.dma_semaphore, #tpu.memory_space<semaphore_mem>>)
    %dma_start3A_43 = arith.constant 1 : i32
    %dma_start3A_44 = arith.constant 1 : i32
    %dma_start3A_45 = arith.constant 0 : i32
    %dma_start3A_46 = arith.constant 0 : i32
    %dma_start3A_47 = tpu.memref_slice %arg6[%dma_start3A_44, %dma_start3A_45, %dma_start3A_46] : memref<4x128x128xf32, #tpu.memory_space<vmem>> -> memref<1x128x128xf32, #tpu.memory_space<vmem>>
    %dma_start3A_48 = tpu.memref_squeeze %dma_start3A_47 : memref<1x128x128xf32, #tpu.memory_space<vmem>> -> memref<128x128xf32, #tpu.memory_space<vmem>>
    %dma_start3A_49 = arith.constant 0 : i32
    %dma_start3A_50 = tpu.memref_slice %arg5[%dma_start3A_43, %dma_start3A_49] : memref<50x128xi32, #tpu.memory_space<vmem>> -> memref<1x128xi32, #tpu.memory_space<vmem>>
    %dma_start3A_51 = tpu.memref_squeeze %dma_start3A_50 : memref<1x128xi32, #tpu.memory_space<vmem>> -> memref<128xi32, #tpu.memory_space<vmem>>
    %dma_start3A_52 = arith.constant 0 : i32
    %dma_start3A_53 = arith.constant 0 : i32
    %dma_start3A_54 = tpu.memref_slice %arg3[%dma_start3A_52, %dma_start3A_53] : memref<100001x128xf32, #tpu.memory_space<hbm>> -> memref<100001x128xf32, #tpu.memory_space<hbm>>
    tpu.enqueue_indirect_dma source(%dma_start3A_54 : memref<100001x128xf32, #tpu.memory_space<hbm>>) target(%dma_start3A_48 : memref<128x128xf32, #tpu.memory_space<vmem>>) offsets(%dma_start3A_51 : memref<128xi32, #tpu.memory_space<vmem>>) semaphore(%arg7 : memref<!tpu.dma_semaphore, #tpu.memory_space<semaphore_mem>>)
    %dma_start3A_55 = arith.constant 2 : i32
    %dma_start3A_56 = arith.constant 2 : i32
    %dma_start3A_57 = arith.constant 0 : i32
    %dma_start3A_58 = arith.constant 0 : i32
    %dma_start3A_59 = tpu.memref_slice %arg6[%dma_start3A_56, %dma_start3A_57, %dma_start3A_58] : memref<4x128x128xf32, #tpu.memory_space<vmem>> -> memref<1x128x128xf32, #tpu.memory_space<vmem>>
    %dma_start3A_60 = tpu.memref_squeeze %dma_start3A_59 : memref<1x128x128xf32, #tpu.memory_space<vmem>> -> memref<128x128xf32, #tpu.memory_space<vmem>>
    %dma_start3A_61 = arith.constant 0 : i32
    %dma_start3A_62 = tpu.memref_slice %arg5[%dma_start3A_55, %dma_start3A_61] : memref<50x128xi32, #tpu.memory_space<vmem>> -> memref<1x128xi32, #tpu.memory_space<vmem>>
    %dma_start3A_63 = tpu.memref_squeeze %dma_start3A_62 : memref<1x128xi32, #tpu.memory_space<vmem>> -> memref<128xi32, #tpu.memory_space<vmem>>
    %dma_start3A_64 = arith.constant 0 : i32
    %dma_start3A_65 = arith.constant 0 : i32
    %dma_start3A_66 = tpu.memref_slice %arg3[%dma_start3A_64, %dma_start3A_65] : memref<100001x128xf32, #tpu.memory_space<hbm>> -> memref<100001x128xf32, #tpu.memory_space<hbm>>
    tpu.enqueue_indirect_dma source(%dma_start3A_66 : memref<100001x128xf32, #tpu.memory_space<hbm>>) target(%dma_start3A_60 : memref<128x128xf32, #tpu.memory_space<vmem>>) offsets(%dma_start3A_63 : memref<128xi32, #tpu.memory_space<vmem>>) semaphore(%arg7 : memref<!tpu.dma_semaphore, #tpu.memory_space<semaphore_mem>>)
    %dma_wait3A_67 = arith.constant 8 : i32
    %dma_wait3A_68 = arith.constant 0 : i32
    %dma_wait3A_69 = tpu.memref_slice %arg5[%dma_wait3A_67, %dma_wait3A_68] : memref<50x128xi32, #tpu.memory_space<vmem>> -> memref<42x128xi32, #tpu.memory_space<vmem>>
    %dma_wait3A_70 = arith.constant 8 : i32
    %dma_wait3A_71 = tpu.memref_slice %arg2[%dma_wait3A_70, %mul3A_2] : memref<50x4096xi32, #tpu.memory_space<hbm>> -> memref<42x128xi32, #tpu.memory_space<hbm>>
    %dma_wait3A_72 = arith.constant 8 : i32
    %dma_wait3A_73 = arith.constant 0 : i32
    %dma_wait3A_74 = tpu.memref_slice %arg5[%dma_wait3A_72, %dma_wait3A_73] : memref<50x128xi32, #tpu.memory_space<vmem>> -> memref<42x128xi32, #tpu.memory_space<vmem>>
    %dma_wait3A_75 = arith.constant 8 : i32
    %dma_wait3A_76 = tpu.memref_slice %arg2[%dma_wait3A_75, %mul3A_2] : memref<50x4096xi32, #tpu.memory_space<hbm>> -> memref<42x128xi32, #tpu.memory_space<hbm>>
    tpu.wait_dma2 semaphore(%arg9 : memref<!tpu.dma_semaphore, #tpu.memory_space<semaphore_mem>>) src(%dma_wait3A_76 : memref<42x128xi32, #tpu.memory_space<hbm>>) dst(%dma_wait3A_74 : memref<42x128xi32, #tpu.memory_space<vmem>>)
    %scan3A = arith.constant 0 : i32
    %scan3A_77 = arith.constant 0 : i32
    %scan3A_78 = arith.constant 50 : i32
    %scan3A_79 = arith.addi %scan3A_77, %scan3A_78 : i32
    %scan3A_80 = arith.constant 1 : i32
    scf.for %scan3A_104 = %scan3A_77 to %scan3A_79 step %scan3A_80  : i32 {
      %rem3A = arith.constant 4 : i32
      %rem3A_105 = arith.remsi %scan3A_104, %rem3A : i32
      %gt3A = arith.constant 0 : i32
      %gt3A_106 = arith.cmpi sgt, %scan3A_104, %gt3A : i32
      %convert_element_type3A = arith.extui %gt3A_106 : i1 to i32
      %cond3A = arith.constant 0 : i32
      %cond3A_107 = arith.cmpi ne, %convert_element_type3A, %cond3A : i32
      scf.if %cond3A_107 {
        %add3A_145 = arith.constant 4 : i32
        %add3A_146 = arith.addi %scan3A_104, %add3A_145 : i32
        %sub3A_147 = arith.constant 1 : i32
        %sub3A_148 = arith.subi %add3A_146, %sub3A_147 : i32
        %rem3A_149 = arith.constant 4 : i32
        %rem3A_150 = arith.remsi %sub3A_148, %rem3A_149 : i32
        %sub3A_151 = arith.constant 1 : i32
        %sub3A_152 = arith.subi %scan3A_104, %sub3A_151 : i32
        %dma_wait3A_153 = arith.constant 0 : i32
        %dma_wait3A_154 = arith.constant 0 : i32
        %dma_wait3A_155 = tpu.memref_slice %arg6[%rem3A_150, %dma_wait3A_153, %dma_wait3A_154] : memref<4x128x128xf32, #tpu.memory_space<vmem>> -> memref<1x128x128xf32, #tpu.memory_space<vmem>>
        %dma_wait3A_156 = tpu.memref_squeeze %dma_wait3A_155 : memref<1x128x128xf32, #tpu.memory_space<vmem>> -> memref<128x128xf32, #tpu.memory_space<vmem>>
        %dma_wait3A_157 = arith.constant 0 : i32
        %dma_wait3A_158 = arith.constant 0 : i32
        %dma_wait3A_159 = tpu.memref_slice %arg4[%sub3A_152, %dma_wait3A_157, %dma_wait3A_158] : memref<50x4096x128xf32, #tpu.memory_space<hbm>> -> memref<1x4096x128xf32, #tpu.memory_space<hbm>>
        %dma_wait3A_160 = tpu.memref_squeeze %dma_wait3A_159 : memref<1x4096x128xf32, #tpu.memory_space<hbm>> -> memref<4096x128xf32, #tpu.memory_space<hbm>>
        %dma_wait3A_161 = arith.constant 0 : i32
        %dma_wait3A_162 = tpu.memref_slice %dma_wait3A_160[%mul3A_2, %dma_wait3A_161] : memref<4096x128xf32, #tpu.memory_space<hbm>> -> memref<128x128xf32, #tpu.memory_space<hbm>>
        %dma_wait3A_163 = arith.constant 0 : i32
        %dma_wait3A_164 = arith.constant 0 : i32
        %dma_wait3A_165 = tpu.memref_slice %arg4[%sub3A_152, %dma_wait3A_163, %dma_wait3A_164] : memref<50x4096x128xf32, #tpu.memory_space<hbm>> -> memref<1x4096x128xf32, #tpu.memory_space<hbm>>
        %dma_wait3A_166 = tpu.memref_squeeze %dma_wait3A_165 : memref<1x4096x128xf32, #tpu.memory_space<hbm>> -> memref<4096x128xf32, #tpu.memory_space<hbm>>
        %dma_wait3A_167 = arith.constant 0 : i32
        %dma_wait3A_168 = tpu.memref_slice %dma_wait3A_166[%mul3A_2, %dma_wait3A_167] : memref<4096x128xf32, #tpu.memory_space<hbm>> -> memref<128x128xf32, #tpu.memory_space<hbm>>
        %dma_wait3A_169 = arith.constant 0 : i32
        %dma_wait3A_170 = arith.constant 0 : i32
        %dma_wait3A_171 = tpu.memref_slice %arg6[%rem3A_150, %dma_wait3A_169, %dma_wait3A_170] : memref<4x128x128xf32, #tpu.memory_space<vmem>> -> memref<1x128x128xf32, #tpu.memory_space<vmem>>
        %dma_wait3A_172 = tpu.memref_squeeze %dma_wait3A_171 : memref<1x128x128xf32, #tpu.memory_space<vmem>> -> memref<128x128xf32, #tpu.memory_space<vmem>>
        tpu.wait_dma2 semaphore(%arg8 : memref<!tpu.dma_semaphore, #tpu.memory_space<semaphore_mem>>) src(%dma_wait3A_172 : memref<128x128xf32, #tpu.memory_space<vmem>>) dst(%dma_wait3A_168 : memref<128x128xf32, #tpu.memory_space<hbm>>)
      } else {
      }
      %add3A_108 = arith.constant 4 : i32
      %add3A_109 = arith.addi %scan3A_104, %add3A_108 : i32
      %sub3A = arith.constant 1 : i32
      %sub3A_110 = arith.subi %add3A_109, %sub3A : i32
      %lt3A = arith.constant 50 : i32
      %lt3A_111 = arith.cmpi slt, %sub3A_110, %lt3A : i32
      %convert_element_type3A_112 = arith.extui %lt3A_111 : i1 to i32
      %cond3A_113 = arith.constant 0 : i32
      %cond3A_114 = arith.cmpi ne, %convert_element_type3A_112, %cond3A_113 : i32
      scf.if %cond3A_114 {
        %add3A_145 = arith.constant 4 : i32
        %add3A_146 = arith.addi %scan3A_104, %add3A_145 : i32
        %sub3A_147 = arith.constant 1 : i32
        %sub3A_148 = arith.subi %add3A_146, %sub3A_147 : i32
        %add3A_149 = arith.constant 4 : i32
        %add3A_150 = arith.addi %scan3A_104, %add3A_149 : i32
        %sub3A_151 = arith.constant 1 : i32
        %sub3A_152 = arith.subi %add3A_150, %sub3A_151 : i32
        %rem3A_153 = arith.constant 4 : i32
        %rem3A_154 = arith.remsi %sub3A_152, %rem3A_153 : i32
        %dma_start3A_155 = arith.constant 0 : i32
        %dma_start3A_156 = arith.constant 0 : i32
        %dma_start3A_157 = tpu.memref_slice %arg6[%rem3A_154, %dma_start3A_155, %dma_start3A_156] : memref<4x128x128xf32, #tpu.memory_space<vmem>> -> memref<1x128x128xf32, #tpu.memory_space<vmem>>
        %dma_start3A_158 = tpu.memref_squeeze %dma_start3A_157 : memref<1x128x128xf32, #tpu.memory_space<vmem>> -> memref<128x128xf32, #tpu.memory_space<vmem>>
        %dma_start3A_159 = arith.constant 0 : i32
        %dma_start3A_160 = tpu.memref_slice %arg5[%sub3A_148, %dma_start3A_159] : memref<50x128xi32, #tpu.memory_space<vmem>> -> memref<1x128xi32, #tpu.memory_space<vmem>>
        %dma_start3A_161 = tpu.memref_squeeze %dma_start3A_160 : memref<1x128xi32, #tpu.memory_space<vmem>> -> memref<128xi32, #tpu.memory_space<vmem>>
        %dma_start3A_162 = arith.constant 0 : i32
        %dma_start3A_163 = arith.constant 0 : i32
        %dma_start3A_164 = tpu.memref_slice %arg3[%dma_start3A_162, %dma_start3A_163] : memref<100001x128xf32, #tpu.memory_space<hbm>> -> memref<100001x128xf32, #tpu.memory_space<hbm>>
        tpu.enqueue_indirect_dma source(%dma_start3A_164 : memref<100001x128xf32, #tpu.memory_space<hbm>>) target(%dma_start3A_158 : memref<128x128xf32, #tpu.memory_space<vmem>>) offsets(%dma_start3A_161 : memref<128xi32, #tpu.memory_space<vmem>>) semaphore(%arg7 : memref<!tpu.dma_semaphore, #tpu.memory_space<semaphore_mem>>)
      } else {
      }
      %dma_wait3A_115 = arith.constant 0 : i32
      %dma_wait3A_116 = arith.constant 0 : i32
      %dma_wait3A_117 = tpu.memref_slice %arg6[%rem3A_105, %dma_wait3A_115, %dma_wait3A_116] : memref<4x128x128xf32, #tpu.memory_space<vmem>> -> memref<1x128x128xf32, #tpu.memory_space<vmem>>
      %dma_wait3A_118 = tpu.memref_squeeze %dma_wait3A_117 : memref<1x128x128xf32, #tpu.memory_space<vmem>> -> memref<128x128xf32, #tpu.memory_space<vmem>>
      %dma_wait3A_119 = arith.constant 0 : i32
      %dma_wait3A_120 = tpu.memref_slice %arg5[%scan3A_104, %dma_wait3A_119] : memref<50x128xi32, #tpu.memory_space<vmem>> -> memref<1x128xi32, #tpu.memory_space<vmem>>
      %dma_wait3A_121 = tpu.memref_squeeze %dma_wait3A_120 : memref<1x128xi32, #tpu.memory_space<vmem>> -> memref<128xi32, #tpu.memory_space<vmem>>
      %dma_wait3A_122 = arith.constant 0 : i32
      %dma_wait3A_123 = arith.constant 0 : i32
      %dma_wait3A_124 = tpu.memref_slice %arg3[%dma_wait3A_122, %dma_wait3A_123] : memref<100001x128xf32, #tpu.memory_space<hbm>> -> memref<100001x128xf32, #tpu.memory_space<hbm>>
      tpu.wait_indirect_dma semaphore(%arg7 : memref<!tpu.dma_semaphore, #tpu.memory_space<semaphore_mem>>) src(%dma_wait3A_124 : memref<100001x128xf32, #tpu.memory_space<hbm>>) dst(%dma_wait3A_118 : memref<128x128xf32, #tpu.memory_space<vmem>>)
      %dma_start3A_125 = arith.constant 0 : i32
      %dma_start3A_126 = arith.constant 0 : i32
      %dma_start3A_127 = tpu.memref_slice %arg6[%rem3A_105, %dma_start3A_125, %dma_start3A_126] : memref<4x128x128xf32, #tpu.memory_space<vmem>> -> memref<1x128x128xf32, #tpu.memory_space<vmem>>
      %dma_start3A_128 = tpu.memref_squeeze %dma_start3A_127 : memref<1x128x128xf32, #tpu.memory_space<vmem>> -> memref<128x128xf32, #tpu.memory_space<vmem>>
      %dma_start3A_129 = arith.constant 0 : i32
      %dma_start3A_130 = arith.constant 0 : i32
      %dma_start3A_131 = tpu.memref_slice %arg4[%scan3A_104, %dma_start3A_129, %dma_start3A_130] : memref<50x4096x128xf32, #tpu.memory_space<hbm>> -> memref<1x4096x128xf32, #tpu.memory_space<hbm>>
      %dma_start3A_132 = tpu.memref_squeeze %dma_start3A_131 : memref<1x4096x128xf32, #tpu.memory_space<hbm>> -> memref<4096x128xf32, #tpu.memory_space<hbm>>
      %dma_start3A_133 = arith.constant 0 : i32
      %dma_start3A_134 = tpu.memref_slice %dma_start3A_132[%mul3A_2, %dma_start3A_133] : memref<4096x128xf32, #tpu.memory_space<hbm>> -> memref<128x128xf32, #tpu.memory_space<hbm>>
      %dma_start3A_135 = arith.constant 0 : i32
      %dma_start3A_136 = arith.constant 0 : i32
      %dma_start3A_137 = tpu.memref_slice %arg4[%scan3A_104, %dma_start3A_135, %dma_start3A_136] : memref<50x4096x128xf32, #tpu.memory_space<hbm>> -> memref<1x4096x128xf32, #tpu.memory_space<hbm>>
      %dma_start3A_138 = tpu.memref_squeeze %dma_start3A_137 : memref<1x4096x128xf32, #tpu.memory_space<hbm>> -> memref<4096x128xf32, #tpu.memory_space<hbm>>
      %dma_start3A_139 = arith.constant 0 : i32
      %dma_start3A_140 = tpu.memref_slice %dma_start3A_138[%mul3A_2, %dma_start3A_139] : memref<4096x128xf32, #tpu.memory_space<hbm>> -> memref<128x128xf32, #tpu.memory_space<hbm>>
      %dma_start3A_141 = arith.constant 0 : i32
      %dma_start3A_142 = arith.constant 0 : i32
      %dma_start3A_143 = tpu.memref_slice %arg6[%rem3A_105, %dma_start3A_141, %dma_start3A_142] : memref<4x128x128xf32, #tpu.memory_space<vmem>> -> memref<1x128x128xf32, #tpu.memory_space<vmem>>
      %dma_start3A_144 = tpu.memref_squeeze %dma_start3A_143 : memref<1x128x128xf32, #tpu.memory_space<vmem>> -> memref<128x128xf32, #tpu.memory_space<vmem>>
      tpu.enqueue_dma source(%dma_start3A_144 : memref<128x128xf32, #tpu.memory_space<vmem>>) target(%dma_start3A_140 : memref<128x128xf32, #tpu.memory_space<hbm>>) target_semaphore(%arg8 : memref<!tpu.dma_semaphore, #tpu.memory_space<semaphore_mem>>)
    }
    %scan3A_81 = arith.constant 50 : i32
    %dma_wait3A_82 = arith.constant 1 : i32
    %dma_wait3A_83 = arith.constant 49 : i32
    %dma_wait3A_84 = arith.constant 0 : i32
    %dma_wait3A_85 = arith.constant 0 : i32
    %dma_wait3A_86 = tpu.memref_slice %arg6[%dma_wait3A_82, %dma_wait3A_84, %dma_wait3A_85] : memref<4x128x128xf32, #tpu.memory_space<vmem>> -> memref<1x128x128xf32, #tpu.memory_space<vmem>>
    %dma_wait3A_87 = tpu.memref_squeeze %dma_wait3A_86 : memref<1x128x128xf32, #tpu.memory_space<vmem>> -> memref<128x128xf32, #tpu.memory_space<vmem>>
    %dma_wait3A_88 = arith.constant 0 : i32
    %dma_wait3A_89 = arith.constant 0 : i32
    %dma_wait3A_90 = tpu.memref_slice %arg4[%dma_wait3A_83, %dma_wait3A_88, %dma_wait3A_89] : memref<50x4096x128xf32, #tpu.memory_space<hbm>> -> memref<1x4096x128xf32, #tpu.memory_space<hbm>>
    %dma_wait3A_91 = tpu.memref_squeeze %dma_wait3A_90 : memref<1x4096x128xf32, #tpu.memory_space<hbm>> -> memref<4096x128xf32, #tpu.memory_space<hbm>>
    %dma_wait3A_92 = arith.constant 0 : i32
    %dma_wait3A_93 = tpu.memref_slice %dma_wait3A_91[%mul3A_2, %dma_wait3A_92] : memref<4096x128xf32, #tpu.memory_space<hbm>> -> memref<128x128xf32, #tpu.memory_space<hbm>>
    %dma_wait3A_94 = arith.constant 0 : i32
    %dma_wait3A_95 = arith.constant 0 : i32
    %dma_wait3A_96 = tpu.memref_slice %arg4[%dma_wait3A_83, %dma_wait3A_94, %dma_wait3A_95] : memref<50x4096x128xf32, #tpu.memory_space<hbm>> -> memref<1x4096x128xf32, #tpu.memory_space<hbm>>
    %dma_wait3A_97 = tpu.memref_squeeze %dma_wait3A_96 : memref<1x4096x128xf32, #tpu.memory_space<hbm>> -> memref<4096x128xf32, #tpu.memory_space<hbm>>
    %dma_wait3A_98 = arith.constant 0 : i32
    %dma_wait3A_99 = tpu.memref_slice %dma_wait3A_97[%mul3A_2, %dma_wait3A_98] : memref<4096x128xf32, #tpu.memory_space<hbm>> -> memref<128x128xf32, #tpu.memory_space<hbm>>
    %dma_wait3A_100 = arith.constant 0 : i32
    %dma_wait3A_101 = arith.constant 0 : i32
    %dma_wait3A_102 = tpu.memref_slice %arg6[%dma_wait3A_82, %dma_wait3A_100, %dma_wait3A_101] : memref<4x128x128xf32, #tpu.memory_space<vmem>> -> memref<1x128x128xf32, #tpu.memory_space<vmem>>
    %dma_wait3A_103 = tpu.memref_squeeze %dma_wait3A_102 : memref<1x128x128xf32, #tpu.memory_space<vmem>> -> memref<128x128xf32, #tpu.memory_space<vmem>>
    tpu.wait_dma2 semaphore(%arg8 : memref<!tpu.dma_semaphore, #tpu.memory_space<semaphore_mem>>) src(%dma_wait3A_103 : memref<128x128xf32, #tpu.memory_space<vmem>>) dst(%dma_wait3A_99 : memref<128x128xf32, #tpu.memory_space<hbm>>)
    return
  }
}

</mosaic_0001>

<sc_bundles>
// kernel: kernel.3.cloned.1.call-start
scs
__scs_entry_jumppad:
0x0: {  	(pc) =	sbr.rel $0x88, $3  }
0x1: {  	(tag) =	ssettag $0x0;
	lr =	simm.s32 $0x1  }
0x2: {  	[smem:$0x3F9F] =	sst lr;
	_ =	strace $0xD0000000  }
0x3: {  	_ = 	snop  }
0x4: {  	_ = 	snop  }
0x5: {  	_ = 	snop  }
0x6: {  	_ = 	snop  }
0x7: {  	_ = 	snop  }
__scs_overlays_trampoline_lowered:
0x8: {  	[smem:$0x3FAE] =	sst s0  }
0x9: {  	[smem:$0x3FAF] =	sst s1  }
0xa: {  	[smem:$0x3FB0] =	sst s2  }
0xb: {  	[smem:$0x3FB1] =	sst s3  }
0xc: {  	[smem:$0x3FB2] =	sst s4  }
0xd: {  	[smem:$0x3FB3] =	sst s5  }
0xe: {  	[smem:$0x3FB4] =	sst s6  }
0xf: {  	[smem:$0x3FB5] =	sst s7  }
0x10: {  	[smem:$0x3FB6] =	sst s8  }
0x11: {  	[smem:$0x3FB7] =	sst s9;
	s0 =	simm.s32 @!p0 $0x0  }
0x12: {  	s1 =	sld [smem:$0x3F9D];
	s0 =	simm.s32 @p0 $0x1  }
0x13: {  	[smem:$0x3FB8] =	sst s0;
	s0 =	simm.s32 @!p1 $0x0  }
0x14: {  	s2 =	sld [smem:$0x3F9C];
	s0 =	simm.s32 @p1 $0x1  }
0x15: {  	[smem:$0x3FB9] =	sst s0;
	s0 =	simm.s32 @!p2 $0x0  }
0x16: {  	s3 =	sld [smem:$0x3FDB];
	s0 =	simm.s32 @p2 $0x1  }
0x17: {  	s4 =	simm.s32 $0x1BF5;
	[smem:$0x3FBB] =	sst s0  }
0x18: {  	s0 =	sld [smem:$0x3F9E];
	_ =	swait.ge [sflag:s4], $0x0  }
0x19: {  	s7 =	sld [smem:$0x3F9F]  }
0x1a: {  	s8 =	sadd.s32 $0xFFFFE003, lr  }
0x1b: {  	s9 =	sadd.s32 $0xFFFFFEF7, lr;
	s5 =	simm.s32 $0xFFFFFFFF;
	p2 =	slt.u32 s8, $0xFFFFF086  }
0x1c: {  	p1 =	slt.u32 s9, $0xF7A;
	s5 =	simm.s32 @!p2 $0x0  }
0x1d: {  	s5 =	simm.s32 @p1 $0x1;
	p0 =	seq.s32 s7, s2  }
0x1e: {  	s7 =	smul.u32 @!p0 $0xF7A, s2;
	p2 =	seq.s32 @!p0 s5, $0x0  }
0x1f: {  	s9 =	smul.u32 $0xF7A, s1;
	s8 =	simm.s32 @!p0 $0x1BF5;
	p2 =	por !p2, p0  }
0x20: {  	[sflag:s8] =	ssyncset.s32 @!p0 $0xFFFFF086;
	s6 =	sadd.s32 @!p0 s3, s7;
	s7 =	simm.s32 @!p0 $0x108  }
0x21: {  	s3 =	sadd.s32 s3, s9;
	s6 =	sadd.s32 @!p0 $0x88, s6;
	s7 =	simm.s32 @p2 $0x1082  }
0x22: {  	[simem:s7], [sflag:s8] =	dma.local @!p0 [hbm:s6], $0xF7A  }
0x23: {  	s9 =	sor.u32 $0xD0000000, s2;
	s6 =	simm.s32 $0x108;
	_ =	swait.ge @!p0 [sflag:s8], $0x0  }
0x24: {  	s3 =	sadd.s32 $0x88, s3;
	s6 =	simm.s32 @!p1 $0x1082;
	[sflag:s4] =	ssyncset.s32 $0xFFFFF086  }
0x25: {  	[simem:s6], [sflag:s4] =	dma.local [hbm:s3], $0xF7A  }
0x26: {  	[smem:$0x3F9F] =	sst s1;
	(tag) =	ssettag s2;
	_ =	strace s9  }
0x27: {  	s1 =	sld [smem:$0x3FAF]  }
0x28: {  	s2 =	sld [smem:$0x3FB0]  }
0x29: {  	s4 =	sld [smem:$0x3FB2]  }
0x2a: {  	p0 =	seq.s32 s5, $0x0;
	s5 =	sld [smem:$0x3FB3]  }
0x2b: {  	s6 =	sld [smem:$0x3FB4]  }
0x2c: {  	s7 =	sld [smem:$0x3FB5]  }
0x2d: {  	s3 =	simm.s32 $0x108;
	s8 =	sld [smem:$0x3FB6]  }
0x2e: {  	s3 =	simm.s32 @!p0 $0x1082;
	s9 =	sld [smem:$0x3FB7]  }
0x2f: {  	lr =	sadd.s32 s0, s3;
	s0 =	sld [smem:$0x3FAE]  }
0x30: {  	s3 =	sld [smem:$0x3FB1]  }
0x31: {  	[smem:$0x3FBA] =	sst s10  }
0x32: {  	s10 =	sld [smem:$0x3FB8];
	_ =	sdelay $0x3  }
0x33: {  	p0 =	seq.s32 s10, $0x1;
	s10 =	sld [smem:$0x3FBA];
	_ =	sdelay $0x3  }
0x34: {  	[smem:$0x3FBA] =	sst s10  }
0x35: {  	s10 =	sld [smem:$0x3FB9];
	_ =	sdelay $0x3  }
0x36: {  	p1 =	seq.s32 s10, $0x1;
	s10 =	sld [smem:$0x3FBA];
	_ =	sdelay $0x3  }
0x37: {  	[smem:$0x3FBA] =	sst s10  }
0x38: {  	s10 =	sld [smem:$0x3FBB]  }
0x39: {  	_ = 	snop;
	(pc) =	sbr.ind lr, $3  }
0x3a: {  	_ = 	snop  }
0x3b: {  	_ = 	snop  }
0x3c: {  	p2 =	seq.s32 s10, $0x1;
	s10 =	sld [smem:$0x3FBA]  }
0x3d: {  	_ =	shalt  }
0x3e: {  	_ =	shalt  }
0x3f: {  	_ =	shalt  }
0x40: {  	_ =	shalt  }
0x41: {  	_ =	shalt  }
0x42: {  	_ =	shalt  }
0x43: {  	_ =	shalt  }
0x44: {  	_ =	shalt  }
0x45: {  	_ =	shalt  }
0x46: {  	_ =	shalt  }
0x47: {  	_ =	shalt  }
0x48: {  	_ =	shalt  }
0x49: {  	_ =	shalt  }
0x4a: {  	_ =	shalt  }
0x4b: {  	_ =	shalt  }
0x4c: {  	_ =	shalt  }
0x4d: {  	_ =	shalt  }
0x4e: {  	_ =	shalt  }
0x4f: {  	_ =	shalt  }
0x50: {  	_ =	shalt  }
0x51: {  	_ =	shalt  }
0x52: {  	_ =	shalt  }
0x53: {  	_ =	shalt  }
0x54: {  	_ =	shalt  }
0x55: {  	_ =	shalt  }
0x56: {  	_ =	shalt  }
0x57: {  	_ =	shalt  }
0x58: {  	_ =	shalt  }
0x59: {  	_ =	shalt  }
0x5a: {  	_ =	shalt  }
0x5b: {  	_ =	shalt  }
0x5c: {  	_ =	shalt  }
0x5d: {  	_ =	shalt  }
0x5e: {  	_ =	shalt  }
0x5f: {  	_ =	shalt  }
0x60: {  	_ =	shalt  }
0x61: {  	_ =	shalt  }
0x62: {  	_ =	shalt  }
0x63: {  	_ =	shalt  }
0x64: {  	_ =	shalt  }
0x65: {  	_ =	shalt  }
0x66: {  	_ =	shalt  }
0x67: {  	_ =	shalt  }
0x68: {  	_ =	shalt  }
0x69: {  	_ =	shalt  }
0x6a: {  	_ =	shalt  }
0x6b: {  	_ =	shalt  }
0x6c: {  	_ =	shalt  }
0x6d: {  	_ =	shalt  }
0x6e: {  	_ =	shalt  }
0x6f: {  	_ =	shalt  }
0x70: {  	_ =	shalt  }
0x71: {  	_ =	shalt  }
0x72: {  	_ =	shalt  }
0x73: {  	_ =	shalt  }
0x74: {  	_ =	shalt  }
0x75: {  	_ =	shalt  }
0x76: {  	_ =	shalt  }
0x77: {  	_ =	shalt  }
0x78: {  	_ =	shalt  }
0x79: {  	_ =	shalt  }
0x7a: {  	_ =	shalt  }
0x7b: {  	_ =	shalt  }
0x7c: {  	_ =	shalt  }
0x7d: {  	_ =	shalt  }
0x7e: {  	_ =	shalt  }
0x7f: {  	_ =	shalt  }
0x80: {  	_ =	shalt  }
0x81: {  	_ =	shalt  }
0x82: {  	_ =	shalt  }
0x83: {  	_ =	shalt  }
0x84: {  	_ =	shalt  }
0x85: {  	_ =	shalt  }
0x86: {  	_ =	shalt  }
0x87: {  	_ =	shalt  }
.Lfunc_end0:
.L_simem_size_0:
called_computation_lowered:
.L_overlay_start_0:
0x88: {  	s2 =	sld [smem:$0x3FD9]  }
0x89: {  	s3 =	sld [smem:$0x3FFE];
	_ =	sdelay $0x1  }
0x8a: {  	s1 =	srdreg.scid  }
0x8b: {  	s0 =	sand.u32 $0x1, s1  }
0x8c: {  	s18 =	sshll.u32 s0, $0xA;
	s2 =	sadd.s32 s3, s2  }
0x8d: {  	s2 =	sadd.s32 s2, s18  }
0x8e: {  	[smem:$0x3FC6] =	sst s2  }
0x8f: {  	_ = 	snop  }
0x90: {  	s2 =	sld [smem:$0x3FC9]  }
0x91: {  	s19 =	sld [smem:$0x3FC8]  }
0x92: {  	s4 =	sld [smem:$0x3FD0];
	(tm) =	ssettm $0x1  }
0x93: {  	s5 =	sld [smem:$0x3FFB];
	_ =	sdelay $0x3  }
0x94: {  	_ =	strace s5  }
0x95: {  	s5 =	sld [smem:$0x3FFC];
	_ =	sdelay $0x3  }
0x96: {  	_ =	strace s5  }
0x97: {  	s5 =	sld [smem:$0x3FFD];
	_ =	sdelay $0x3  }
0x98: {  	_ =	strace s5  }
0x99: {  	_ =	strace $0x8FFFFFFF  }
0x9a: {  	s20 =	sld [smem:$0x3FDB];
	_ =	sdelay $0x1  }
0x9b: {  	s6 =	simm.s32 $_scs_section_size  }
0x9c: {  	s7 =	simm.s32 $_size__tile_overlayer_lowered;
	s8 =	simm.s32 $_tile_overlayer_lowered  }
0x9d: {  	s23 =	simm.s32 $0x1BFF;
	s22 =	sshll.u32 s8, $0x1;
	s5 =	sadd.s32 s6, s20  }
0x9e: {  	s9 =	simm.s32 $0x0;
	s21 =	sshll.u32 s7, $0x1;
	s7 =	sadd.s32 s22, s5  }
0x9f: {  	[timem:s9], [sflag:s23] =	dma.local [hbm:s7], s21  }
0xa0: {  	_ =	swait.ge [sflag:s23], s21  }
0xa1: {  	s6 =	ssub.s32 $0x0, s21;
	[sflag:s23] =	ssyncset.done $0x0  }
0xa2: {  	[sflag:s23] =	ssyncadd.s32 s6;
	_ =	sdelay $0x1  }
0xa3: {  	s24 =	simm.s32 $0x1B8B  }
0xa4: {  	_ =	swait.ge [sflag:s24], $0x1  }
0xa5: {  	[sflag:s24] =	ssyncset.done $0x0  }
0xa6: {  	s25 =	simm.s32 $0x1B8E;
	[sflag:s24] =	ssyncadd.s32 $0xFFFFFFFF  }
0xa7: {  	s26 =	simm.s32 $execute0_lowered;
	[smem:$0x3FD2] =	sst s25  }
0xa8: {  	s6 =	sshll.u32 s26, $0x1;
	_ =	strace $0x80000046;
	[dreg:$0x1] =	wrdreg $0xFFFFFFFF  }
0xa9: {  	s28 =	simm.s32 $_size_execute0_lowered;
	s5 =	sadd.s32 s5, s6;
	[dreg:$0x0] =	wrdreg $0x0  }
0xaa: {  	s6 =	sshll.u32 s28, $0x1;
	[dreg:$0x2] =	wrdreg s5  }
0xab: {  	[dreg:$0x3] =	wrdreg s6  }
0xac: {  	[dreg:$0x4] =	wrdreg $0xC0  }
0xad: {  	_ =	task [dreg:s9], $0x5FFFF  }
0xae: {  	[dreg:$0x1] =	wrdreg $0xFFFFFFFF  }
0xaf: {  	[dreg:$0x0] =	wrdreg $0x60  }
0xb0: {  	[dreg:$0x2] =	wrdreg s2  }
0xb1: {  	[dreg:$0x3] =	wrdreg s19  }
0xb2: {  	[dreg:$0x4] =	wrdreg s4  }
0xb3: {  	[dreg:$0x5] =	wrdreg $0x9  }
0xb4: {  	_ =	task.clear_ibuf [dreg:s9], $0x6FFFF;
	_ =	strace $0x90000046  }
0xb5: {  	s29 =	simm.s32 $0x9;
	_ =	strace $0x80000048  }
0xb6: {  	_ =	swait.ge [sflag:s29], $0x1  }
0xb7: {  	[sflag:s29] =	ssyncadd.s32 $0xFFFFFFFF  }
0xb8: {  	_ =	strace $0x90000048  }
0xb9: {  	_ =	sfence  }
0xba: {  	s30 =	sld [smem:$0x0];
	_ =	sdelay $0x2  }
0xbb: {  	s31 =	sshll.u32 s1, $0xD;
	s1 =	sshrl.u32 s1, $0x2  }
0xbc: {  	s3 =	sand.u32 $0x4000, s31;
	s1 =	sadd.s32 s1, s30  }
0xbd: {  	s0 =	sor.u32 s3, s0;
	s1 =	sshll.u32 s1, $0x11  }
0xbe: {  	s0 =	sor.u32 s1, s0  }
0xbf: {  	s0 =	sadd.s32 $0x8F2B, s0  }
0xc0: {  	[sflag:s0] =	ssyncadd.remote.s32 $0x1  }
0xc1: {  	_ =	sfence.sel $0xFFFF  }
0xc2: {  	[dreg:$0x0] =	wrdreg $0xFFFFFFFF;
	(pc) =	sbr.abs _section_cstart, $3  }
0xc3: {  	[dreg:$0x1] =	wrdreg $0xFFFFFFFF  }
0xc4: {  	_ =	task.clear_ibuf [dreg:s9], $0x2FFFF;
	_ =	strace $0x9FFFFFFF  }
0xc5: {  	(tm) =	ssettm $0x7FFFFFFF  }
tec
execute0_lowered:
.L_overlay_start_1:
0x0: {  	(tag) =	ssettag $0x1  }
0x1: {  	s4 =	rddreg [dreg:$0x0]  }
0x2: {  	s2 =	rddreg [dreg:$0x1]  }
0x3: {  	s21 =	rddreg [dreg:$0x2]  }
0x4: {  	s3 =	srdreg.scid;
	s0 =	stileid.u32;
	s10 =	simm.s32 $0x8000  }
0x5: {  	s11 =	simm.s32 $0x400;
	s12 =	simm.s32 $0x1800;
	s13 =	simm.s32 $0x3  }
0x6: {  	s14 =	simm.s32 $0x80;
	s15 =	simm.s32 $0x1C00;
	s16 =	simm.s32 $0x5C00  }
0x7: {  	s17 =	simm.s32 $0x100;
	s18 =	simm.s32 $0x9C00;
	s19 =	simm.s32 $0x180  }
0x8: {  	s20 =	simm.s32 $0xDC00;
	s22 =	simm.s32 $0x2;
	s23 =	simm.s32 $0x1  }
0x9: {  	s24 =	simm.s32 $0x0;
	s5 =	sand.u32 $0x1, s3;
	s3 =	simm.s32 $0x0  }
0xa: {  	s6 =	sshll.u32 s0, $0x8;
	s9 =	sadd.s32 $0x10000, s21;
	s7 =	sshll.u32 s5, $0x7  }
0xb: {  	[smem:$0x7FF] =	sst s3;
	s5 =	ssub.s32 $0x2, s5;
	s7 =	sor.u32 s7, s6  }
0xc: {  	_ =	strace $0x80000047;
	s31 =	sshrl.u32 s5, $0x1;
	s4 =	sadd.s32 s4, s7  }
0xd: {  	s8 =	ssub.s32 s5, s31;
	s7 =	sshll.u32 s7, $0x4;
	s5 =	sadd.s32 $0x1000, s4  }
0xe: {  	s6 =	sadd.s32 $0x6000, s4;
	s8 =	smax.u32 s8, $0x1;
	s21 =	sadd.s32 s7, s21  }
.LBB2_1:
0xf: {  	[tilespmem:s3], [sflag:$0x3] =	stream.linear.gather [hbm4b:s4+s3], $0x400, $0x38;
	[tilespmem:$0x11C00] =	vst v63  }
0x10: {  	_ = 	snop  }
0x11: {  	[tilespmem:s11], [sflag:$0x3] =	stream.strided.gather [hbm4b:s5+s11], $0x1400, s10, s11, $0x38;
	[tilespmem:$0x11C00] =	vst v63  }
0x12: {  	_ = 	snop  }
0x13: {  	[tilespmem:s12], [sflag:$0x3] =	stream.linear.gather [hbm4b:s6+s3], $0x100, $0x38;
	[tilespmem:$0x11C00] =	vst v63  }
0x14: {  	_ =	swait.ge [sflag:s13], $0x400  }
0x15: {  	[sflag:s13] =	ssyncset.done $0x0  }
0x16: {  	[sflag:s13] =	ssyncadd.s32 $0xFFFFFC00  }
0x17: {  	[tilespmem:s15], [sflag:$0x1] =	stream.indirect.gather [hbm4b:s2+s14], $0x80, s3, s14, $0xb8;
	[tilespmem:$0x11C00] =	vst v63  }
0x18: {  	_ = 	snop  }
0x19: {  	[tilespmem:s16], [sflag:$0x1] =	stream.indirect.gather [hbm4b:s2+s14], $0x80, s14, s14, $0xb8;
	[tilespmem:$0x11C00] =	vst v63  }
0x1a: {  	_ = 	snop  }
0x1b: {  	[tilespmem:s18], [sflag:$0x1] =	stream.indirect.gather [hbm4b:s2+s14], $0x80, s17, s14, $0xb8;
	[tilespmem:$0x11C00] =	vst v63  }
0x1c: {  	_ =	swait.ge [sflag:s13], $0x1500  }
0x1d: {  	[sflag:s13] =	ssyncset.done $0x0  }
0x1e: {  	[sflag:s13] =	ssyncadd.s32 $0xFFFFEB00  }
0x1f: {  	[tilespmem:s20], [sflag:$0x1] =	stream.indirect.gather [hbm4b:s2+s14], $0x80, s19, s14, $0xb8;
	[tilespmem:$0x11C00] =	vst v63  }
0x20: {  	_ =	swait.ge [sflag:s23], $0x4000  }
0x21: {  	[sflag:s23] =	ssyncset.done $0x0  }
0x22: {  	s25 =	simm.s32 $0x40000;
	p0 =	por $0x0, $0x0;
	[sflag:s23] =	ssyncadd.s32 $0xFFFFC000  }
0x23: {  	[hbm4b:s21+s3] =	stream.linear.scatter [tilespmem:s15], [sflag:$0x2], $0x4000, $0x38;
	[tilespmem:$0x11C00] =	vst v63  }
0x24: {  	s26 =	simm.s32 $0x200;
	s28 =	sand.u32 @!p0 $0x30000, s25;
	_ =	swait.ge [sflag:s22], $0x4000  }
0x25: {  	s30 =	sadd.s32 $0x40000, s9;
	s28 =	sshrl.u32 @!p0 s28, $0x2;
	[sflag:s22] =	ssyncset.done $0x0  }
0x26: {  	s29 =	simm.s32 @!p0 $0x80;
	s28 =	sor.u32 @!p0 $0x1C00, s28;
	[sflag:s22] =	ssyncadd.s32 $0xFFFFC000  }
0x27: {  	[tilespmem:s28], [sflag:$0x1] =	stream.indirect.gather @!p0 [hbm4b:s2+s29], $0x80, s26, s29, $0xb8;
	[tilespmem:$0x11C00] =	vst v63  }
0x28: {  	s25 =	simm.s32 $0x2;
	s30 =	sadd.s32 s7, s30;
	s29 =	simm.s32 $0x10000  }
0x29: {  	s30 =	sadd.s32 $0xFFFC0000, s30;
	s29 =	sand.u32 $0x30000, s29;
	_ =	swait.ge [sflag:s23], $0x4000  }
0x2a: {  	s26 =	simm.s32 $0x280;
	s29 =	sshrl.u32 s29, $0x2;
	[sflag:s23] =	ssyncset.done $0x0  }
0x2b: {  	s28 =	simm.s32 $0x50000;
	s29 =	sor.u32 $0x1C00, s29;
	[sflag:s23] =	ssyncadd.s32 $0xFFFFC000  }
.LBB2_2:
0x2c: {  	[hbm4b:s30+s3] =	stream.linear.scatter [tilespmem:s29], [sflag:$0x2], $0x4000, $0x38;
	[tilespmem:$0x11C00] =	vst v63  }
0x2d: {  	s29 =	smov.u32 s25;
	s30 =	smov.u32 s26;
	s31 =	smov.u32 s28  }
0x2e: {  	s25 =	sadd.s32 $0x1, s25;
	s26 =	sadd.s32 $0x80, s26  }
0x2f: {  	s28 =	sadd.s32 $0x10000, s28;
	p1 =	sgt.u32 s29, $0x2E;
	p0 =	sne.s32 s25, $0x32  }
0x30: {  	s0 =	sadd.s32 $0xFFFD0000, s31;
	s29 =	sand.u32 @!p1 $0x30000, s31;
	_ =	swait.ge [sflag:s22], $0x4000  }
0x31: {  	s1 =	simm.s32 @!p1 $0x80;
	s29 =	sshrl.u32 @!p1 s29, $0x2;
	[sflag:s22] =	ssyncset.done $0x0  }
.Ltmp0:
0x32: {  	s29 =	sor.u32 @!p1 $0x1C00, s29;
	[sflag:s22] =	ssyncadd.s32 $0xFFFFC000;
	(pc) =	sbr.rel @p0 .LBB2_2-.Ltmp0, $4  }
0x33: {  	[tilespmem:s29], [sflag:$0x1] =	stream.indirect.gather @!p1 [hbm4b:s2+s1], $0x80, s30, s1, $0xb8;
	[tilespmem:$0x11C00] =	vst v63  }
0x34: {  	s0 =	sand.u32 $0x30000, s0;
	s1 =	sadd.s32 s31, s9;
	_ =	swait.ge [sflag:s23], $0x4000  }
0x35: {  	s0 =	sshrl.u32 s0, $0x2;
	s1 =	sadd.s32 s7, s1;
	[sflag:s23] =	ssyncset.done $0x0  }
0x36: {  	s29 =	sor.u32 $0x1C00, s0;
	s30 =	sadd.s32 $0xFFFC0000, s1;
	[sflag:s23] =	ssyncadd.s32 $0xFFFFC000  }
0x37: {  	s24 =	sadd.s32 $0x1, s24  }
0x38: {  	p0 =	sne.s32 s24, s8  }
.Ltmp1:
0x39: {  	_ = 	snop;
	(pc) =	sbr.rel @p0 .LBB2_1-.Ltmp1, $4  }
0x3a: {  	[hbm4b:s30+s3] =	stream.linear.scatter [tilespmem:s29], [sflag:$0x2], $0x4000, $0x38;
	[tilespmem:$0x11C00] =	vst v63  }
0x3b: {  	_ =	swait.ge [sflag:s22], $0x4000  }
0x3c: {  	[sflag:s22] =	ssyncset.done $0x0  }
0x3d: {  	[sflag:s22] =	ssyncadd.s32 $0xFFFFC000  }
0x3e: {  	_ =	sfence.sel $0x180000  }
0x3f: {  	[bflag:$0x0] =	sbarrier.arrive $0xFFFF  }
0x40: {  	_ =	strace $0x90000047  }
0x41: {  	s0 =	stileid.u32;
	[bflag:$0x2] =	sbarrier.arrive $0xFFFF  }
0x42: {  	p0 =	sne.s32 s0, $0x0;
	s0 =	rddreg [dreg:$0x3]  }
0x43: {  	s0 =	sadd.s32 @!p0 $0x100000, s0  }
0x44: {  	[sflag:s0] =	ssyncadd.tile.s32 @!p0 $0x1;
	_ =	shalt  }
.Lfunc_end2:
_tile_overlayer_lowered:
.L_overlay_start_2:
0x45: {  	(tag) =	ssettag $0x2  }
0x46: {  	s0 =	rddreg [dreg:$0x0];
	s2 =	stileid.u32  }
0x47: {  	s1 =	rddreg [dreg:$0x1];
	p0 =	sne.s32 s2, $0x0  }
0x48: {  	s3 =	rddreg [dreg:$0x2];
	[bflag:$0x3] =	sbarrier.arrive $0xFFFF;
	s2 =	simm.s32 @!p0 $0x1C04  }
0x49: {  	[timem:s3], [sflag:s2] =	dma.local @!p0 [hbm:s0], s1  }
0x4a: {  	s0 =	simm.s32 @!p0 $0x4  }
0x4b: {  	_ =	swait.ge @!p0 [sflag:s0], s1  }
0x4c: {  	s1 =	ssub.s32 @!p0 $0x0, s1;
	[sflag:s0] =	ssyncset.done @!p0 $0x0  }
0x4d: {  	[sflag:s0] =	ssyncadd.s32 @!p0 s1  }
0x4e: {  	[bflag:$0x3] =	sbarrier.arrive $0xFFFF  }
0x4f: {  	_ =	shalt  }

</sc_bundles>
